<compile_context>
chip_gen: v7x
topology: tpu7x:2x2x1
jax: 0.10.2.dev20260603
libtpu: 0.0.44.dev20260713+nightly
codegen_flags: <defaults>
</compile_context>

<pallas_src>
import jax
import jax.numpy as jnp
from jax import lax
from jax.experimental import pallas as pl
from jax.experimental.pallas import tpu as pltpu
from jax.experimental.pallas import tpu_sc as plsc

_B, _T = 16, 4096
_L = 16


def _flip_compact_body(x_hbm, mask_hbm, logdet_hbm, out_hbm, mask_out_hbm,
                       logdet_out_hbm, xbuf, obuf, ldbuf):
    c = lax.axis_index("c")
    s = lax.axis_index("s")
    wid = s * 2 + c

    @pl.when(wid < _B)
    def _():
        row = wid
        pltpu.sync_copy(x_hbm.at[row], xbuf)

        iota = lax.iota(jnp.int32, _L)
        lanes = jnp.full((_L,), _L, jnp.int32)
        zero = jnp.zeros((_L,), jnp.int32)
        zoffn0 = jnp.full((_L,), _T - _L, jnp.int32) + iota

        @plsc.parallel_loop(0, _T // _L, unroll=4, carry=(zero, zoffn0))
        def compact_step(i, carry):
            off, zoffn = carry
            v = xbuf[pl.ds(_T - (i + 1) * _L, _L)]
            m = v != 0.0
            mi = m.astype(jnp.int32)
            csum = plsc.cumsum(mi)
            cnt = plsc.all_reduce_population_count(m)
            pos = jnp.where(m, off, zoffn) + cnt - csum
            plsc.store_scatter(obuf, [pos], v)
            return (off + cnt, zoffn + cnt - lanes)

        pltpu.sync_copy(obuf, out_hbm.at[row])

    @pl.when(wid >= _B)
    def _():
        row = wid - _B
        pltpu.sync_copy(mask_hbm.at[row], xbuf)
        pltpu.sync_copy(xbuf, mask_out_hbm.at[row])

        @pl.when(row == 0)
        def _():
            pltpu.sync_copy(logdet_hbm, ldbuf)
            pltpu.sync_copy(ldbuf, logdet_out_hbm)


def kernel(x, mask, logdet):
    mesh = plsc.VectorSubcoreMesh(core_axis_name="c", subcore_axis_name="s")
    f = pl.kernel(
        _flip_compact_body,
        out_type=(
            jax.ShapeDtypeStruct((_B, _T), jnp.float32),
            jax.ShapeDtypeStruct((_B, _T), jnp.float32),
            jax.ShapeDtypeStruct((_B,), jnp.float32),
        ),
        mesh=mesh,
        scratch_types=[
            pltpu.VMEM((_T,), jnp.float32),
            pltpu.VMEM((_T,), jnp.float32),
            pltpu.VMEM((_B,), jnp.float32),
        ],
        compiler_params=pltpu.CompilerParams(needs_layout_passes=False),
    )
    x_, mask_o, logdet_o = f(x, mask, logdet)
    return (x_, mask_o, logdet_o)

# --- scband reference (transcript-rebuilt; emitter-appended) ---
"""Pipeline reference for scband-flip-flow-51934744543571 (READ-ONLY COPY).

The authoritative reference and input builder live on the scoring server;
editing this copy changes nothing except your own understanding.
"""

import jax, jax.numpy as jnp
import numpy as np

B, T = 16, 4096

def setup_inputs(seed: int = 0) -> dict:
    key = jax.random.key(seed)
    k1, k2 = jax.random.split(key)
    # ragged lengths: each row has a valid prefix, rest is zero padding
    lengths = jax.random.randint(k2, (B,), T // 2, T + 1)
    pos = jnp.arange(T)[None, :]
    mask = (pos < lengths[:, None]).astype(jnp.float32)
    x = jax.random.normal(k1, (B, T), dtype=jnp.float32) * mask
    logdet = jnp.zeros((B,), dtype=jnp.float32)
    return {"x": x, "mask": mask, "logdet": logdet}


def reference(x, mask, logdet):
    # conditioner_name == 'gru' branch of FlipFlow.forward
    # 1) flip the sequence along time axis
    x_flip = x[:, ::-1]
    # 2) re-compact: sort indicator (x_flip != 0) descending along time, gather
    #    -> moves non-padding (nonzero) entries to the front of each row
    keys = (x_flip != 0).astype(jnp.int32)
    # descending stable sort via argsort of negated keys (jnp.argsort is stable)
    idx = jnp.argsort(-keys, axis=1)
    x_ = jnp.take_along_axis(x_flip, idx, axis=1)
    return (x_, mask, logdet)

if __name__ == "__main__":
    import jax
    _d = setup_inputs()
    print(jax.jit(kernel)(*tuple(_d.values())))

</pallas_src>

<mosaic_0001>
#map = affine_map<(d0, d1) -> (0, 0)>
#map1 = affine_map<(d0, d1) -> (0)>
module attributes {stable_mosaic.version = 14 : i64} {
  func.func @_flip_compact_body(%arg0: i32, %arg1: i32, %arg2: memref<16x4096xf32, #tpu.memory_space<hbm>>, %arg3: memref<16x4096xf32, #tpu.memory_space<hbm>>, %arg4: memref<16xf32, #tpu.memory_space<hbm>>, %arg5: memref<16x4096xf32, #tpu.memory_space<hbm>>, %arg6: memref<16x4096xf32, #tpu.memory_space<hbm>>, %arg7: memref<16xf32, #tpu.memory_space<hbm>>, %arg8: memref<4096xf32, #tpu.memory_space<vmem>>, %arg9: memref<4096xf32, #tpu.memory_space<vmem>>, %arg10: memref<16xf32, #tpu.memory_space<vmem>>) attributes {dimension_semantics = [#tpu.dimension_semantics<core_parallel>, #tpu.dimension_semantics<subcore_parallel>], iteration_bounds = array<i64: 2, 16>, scalar_prefetch = 0 : i64, scratch_operands = 3 : i64, tpu.core_type = #tpu.core_type<sc_vector_subcore>, window_params = [{transform_indices = #map}, {transform_indices = #map}, {transform_indices = #map1}, {transform_indices = #map}, {transform_indices = #map}, {transform_indices = #map1}]} {
    %mul3A = arith.constant 2 : i32
    %mul3A_0 = arith.muli %arg1, %mul3A : i32
    %add3A = arith.addi %mul3A_0, %arg0 : i32
    %lt3A = arith.constant 16 : i32
    %lt3A_1 = arith.cmpi slt, %add3A, %lt3A : i32
    %convert_element_type3A = arith.extui %lt3A_1 : i1 to i32
    %cond3A = arith.constant 0 : i32
    %cond3A_2 = arith.cmpi ne, %convert_element_type3A, %cond3A : i32
    scf.if %cond3A_2 {
      "tpu.region"() ({
        %run_scoped3A = tpu.sem_alloc : memref<!tpu.dma_semaphore, #tpu.memory_space<semaphore_mem>>
        %dma_start3A = arith.constant 0 : i32
        %dma_start3A_16 = tpu.memref_slice %arg2[%add3A, %dma_start3A] : memref<16x4096xf32, #tpu.memory_space<hbm>> -> memref<1x4096xf32, #tpu.memory_space<hbm>>
        %dma_start3A_17 = tpu.memref_squeeze %dma_start3A_16 : memref<1x4096xf32, #tpu.memory_space<hbm>> -> memref<4096xf32, #tpu.memory_space<hbm>>
        %dma_start3A_18 = arith.constant 0 : i32
        %dma_start3A_19 = tpu.memref_slice %arg2[%add3A, %dma_start3A_18] : memref<16x4096xf32, #tpu.memory_space<hbm>> -> memref<1x4096xf32, #tpu.memory_space<hbm>>
        %dma_start3A_20 = tpu.memref_squeeze %dma_start3A_19 : memref<1x4096xf32, #tpu.memory_space<hbm>> -> memref<4096xf32, #tpu.memory_space<hbm>>
        tpu.enqueue_dma source(%dma_start3A_20 : memref<4096xf32, #tpu.memory_space<hbm>>) target(%arg8 : memref<4096xf32, #tpu.memory_space<vmem>>) target_semaphore(%run_scoped3A : memref<!tpu.dma_semaphore, #tpu.memory_space<semaphore_mem>>)
        %dma_wait3A = arith.constant 0 : i32
        %dma_wait3A_21 = tpu.memref_slice %arg2[%add3A, %dma_wait3A] : memref<16x4096xf32, #tpu.memory_space<hbm>> -> memref<1x4096xf32, #tpu.memory_space<hbm>>
        %dma_wait3A_22 = tpu.memref_squeeze %dma_wait3A_21 : memref<1x4096xf32, #tpu.memory_space<hbm>> -> memref<4096xf32, #tpu.memory_space<hbm>>
        %dma_wait3A_23 = arith.constant 0 : i32
        %dma_wait3A_24 = tpu.memref_slice %arg2[%add3A, %dma_wait3A_23] : memref<16x4096xf32, #tpu.memory_space<hbm>> -> memref<1x4096xf32, #tpu.memory_space<hbm>>
        %dma_wait3A_25 = tpu.memref_squeeze %dma_wait3A_24 : memref<1x4096xf32, #tpu.memory_space<hbm>> -> memref<4096xf32, #tpu.memory_space<hbm>>
        tpu.wait_dma2 semaphore(%run_scoped3A : memref<!tpu.dma_semaphore, #tpu.memory_space<semaphore_mem>>) src(%dma_wait3A_25 : memref<4096xf32, #tpu.memory_space<hbm>>) dst(%arg8 : memref<4096xf32, #tpu.memory_space<vmem>>)
        tpu.yield
      }) : () -> ()
      %iota3A = tpu.iota {dimensions = array<i32: 0>} : vector<16xi32>
      %broadcast_in_dim3A = arith.constant 16 : i32
      %broadcast_in_dim3A_7 = vector.broadcast %broadcast_in_dim3A : i32 to vector<16xi32>
      %broadcast_in_dim3A_8 = arith.constant 0 : i32
      %broadcast_in_dim3A_9 = vector.broadcast %broadcast_in_dim3A_8 : i32 to vector<16xi32>
      %broadcast_in_dim3A_10 = arith.constant 4080 : i32
      %broadcast_in_dim3A_11 = vector.broadcast %broadcast_in_dim3A_10 : i32 to vector<16xi32>
      %add3A_12 = arith.addi %broadcast_in_dim3A_11, %iota3A : vector<16xi32>
      %parallel_loop3A = arith.constant 0 : i32
      %parallel_loop3A_13 = arith.constant 256 : i32
      %parallel_loop3A_14 = arith.constant 1 : i32
      %parallel_loop3A_15:2 = scf.for %parallel_loop3A_16 = %parallel_loop3A to %parallel_loop3A_13 step %parallel_loop3A_14 iter_args(%parallel_loop3A_17 = %broadcast_in_dim3A_9, %parallel_loop3A_18 = %add3A_12) -> (vector<16xi32>, vector<16xi32>)  : i32 {
        %parallel_loop3A_19 = arith.constant 1 : i32
        %parallel_loop3A_20 = arith.addi %parallel_loop3A_16, %parallel_loop3A_19 : i32
        %parallel_loop3A_21 = arith.constant 16 : i32
        %parallel_loop3A_22 = arith.muli %parallel_loop3A_20, %parallel_loop3A_21 : i32
        %parallel_loop3A_23 = arith.constant 4096 : i32
        %parallel_loop3A_24 = arith.subi %parallel_loop3A_23, %parallel_loop3A_22 : i32
        %parallel_loop3A_25 = arith.index_cast %parallel_loop3A_24 : i32 to index
        %parallel_loop3A_26 = tpu.vector_load %arg8[%parallel_loop3A_25] {strides = array<i32>} : memref<4096xf32, #tpu.memory_space<vmem>>, vector<16xf32>,
        %parallel_loop3A_27 = arith.constant 0.000000e+00 : f32
        %parallel_loop3A_28 = vector.broadcast %parallel_loop3A_27 : f32 to vector<16xf32>
        %parallel_loop3A_29 = arith.cmpf one, %parallel_loop3A_26, %parallel_loop3A_28 : vector<16xf32>
        %parallel_loop3A_30 = arith.extui %parallel_loop3A_29 : vector<16xi1> to vector<16xi32>
        %parallel_loop3A_31 = arith.constant true
        %parallel_loop3A_32 = vector.broadcast %parallel_loop3A_31 : i1 to vector<16xi1>
        %parallel_loop3A_33 = tpu.scan <sum>, %parallel_loop3A_30 masked %parallel_loop3A_32 : vector<16xi32>, vector<16xi1> -> vector<16xi32>
        %parallel_loop3A_34 = tpu.all_reduce %parallel_loop3A_29 {dim = 0 : i64, kind = #tpu.reduction_kind<sum>} : vector<16xi1> -> vector<16xi32>
        %parallel_loop3A_35 = arith.select %parallel_loop3A_29, %parallel_loop3A_17, %parallel_loop3A_18 : vector<16xi1>, vector<16xi32>
        %parallel_loop3A_36 = arith.addi %parallel_loop3A_35, %parallel_loop3A_34 : vector<16xi32>
        %parallel_loop3A_37 = arith.subi %parallel_loop3A_36, %parallel_loop3A_33 : vector<16xi32>
        tpu.vector_store_idx %arg9[%parallel_loop3A_37], %parallel_loop3A_26 : memref<4096xf32, #tpu.memory_space<vmem>>[vector<16xi32>], vector<16xf32>,
        %parallel_loop3A_38 = arith.addi %parallel_loop3A_17, %parallel_loop3A_34 : vector<16xi32>
        %parallel_loop3A_39 = arith.addi %parallel_loop3A_18, %parallel_loop3A_34 : vector<16xi32>
        %parallel_loop3A_40 = arith.subi %parallel_loop3A_39, %broadcast_in_dim3A_7 : vector<16xi32>
        scf.yield %parallel_loop3A_38, %parallel_loop3A_40 : vector<16xi32>, vector<16xi32>
      } {sc.loop_unroll_factor = 4 : i64, sc.parallel_access}
      "tpu.region"() ({
        %run_scoped3A = tpu.sem_alloc : memref<!tpu.dma_semaphore, #tpu.memory_space<semaphore_mem>>
        %dma_start3A = arith.constant 0 : i32
        %dma_start3A_16 = tpu.memref_slice %arg5[%add3A, %dma_start3A] : memref<16x4096xf32, #tpu.memory_space<hbm>> -> memref<1x4096xf32, #tpu.memory_space<hbm>>
        %dma_start3A_17 = tpu.memref_squeeze %dma_start3A_16 : memref<1x4096xf32, #tpu.memory_space<hbm>> -> memref<4096xf32, #tpu.memory_space<hbm>>
        %dma_start3A_18 = arith.constant 0 : i32
        %dma_start3A_19 = tpu.memref_slice %arg5[%add3A, %dma_start3A_18] : memref<16x4096xf32, #tpu.memory_space<hbm>> -> memref<1x4096xf32, #tpu.memory_space<hbm>>
        %dma_start3A_20 = tpu.memref_squeeze %dma_start3A_19 : memref<1x4096xf32, #tpu.memory_space<hbm>> -> memref<4096xf32, #tpu.memory_space<hbm>>
        tpu.enqueue_dma source(%arg9 : memref<4096xf32, #tpu.memory_space<vmem>>) target(%dma_start3A_20 : memref<4096xf32, #tpu.memory_space<hbm>>) target_semaphore(%run_scoped3A : memref<!tpu.dma_semaphore, #tpu.memory_space<semaphore_mem>>)
        %dma_wait3A = arith.constant 0 : i32
        %dma_wait3A_21 = tpu.memref_slice %arg5[%add3A, %dma_wait3A] : memref<16x4096xf32, #tpu.memory_space<hbm>> -> memref<1x4096xf32, #tpu.memory_space<hbm>>
        %dma_wait3A_22 = tpu.memref_squeeze %dma_wait3A_21 : memref<1x4096xf32, #tpu.memory_space<hbm>> -> memref<4096xf32, #tpu.memory_space<hbm>>
        %dma_wait3A_23 = arith.constant 0 : i32
        %dma_wait3A_24 = tpu.memref_slice %arg5[%add3A, %dma_wait3A_23] : memref<16x4096xf32, #tpu.memory_space<hbm>> -> memref<1x4096xf32, #tpu.memory_space<hbm>>
        %dma_wait3A_25 = tpu.memref_squeeze %dma_wait3A_24 : memref<1x4096xf32, #tpu.memory_space<hbm>> -> memref<4096xf32, #tpu.memory_space<hbm>>
        tpu.wait_dma2 semaphore(%run_scoped3A : memref<!tpu.dma_semaphore, #tpu.memory_space<semaphore_mem>>) src(%arg9 : memref<4096xf32, #tpu.memory_space<vmem>>) dst(%dma_wait3A_25 : memref<4096xf32, #tpu.memory_space<hbm>>)
        tpu.yield
      }) : () -> ()
    } else {
    }
    %ge3A = arith.constant 16 : i32
    %ge3A_3 = arith.cmpi sge, %add3A, %ge3A : i32
    %convert_element_type3A_4 = arith.extui %ge3A_3 : i1 to i32
    %cond3A_5 = arith.constant 0 : i32
    %cond3A_6 = arith.cmpi ne, %convert_element_type3A_4, %cond3A_5 : i32
    scf.if %cond3A_6 {
      %sub3A = arith.constant 16 : i32
      %sub3A_7 = arith.subi %add3A, %sub3A : i32
      "tpu.region"() ({
        %run_scoped3A = tpu.sem_alloc : memref<!tpu.dma_semaphore, #tpu.memory_space<semaphore_mem>>
        %dma_start3A = arith.constant 0 : i32
        %dma_start3A_12 = tpu.memref_slice %arg3[%sub3A_7, %dma_start3A] : memref<16x4096xf32, #tpu.memory_space<hbm>> -> memref<1x4096xf32, #tpu.memory_space<hbm>>
        %dma_start3A_13 = tpu.memref_squeeze %dma_start3A_12 : memref<1x4096xf32, #tpu.memory_space<hbm>> -> memref<4096xf32, #tpu.memory_space<hbm>>
        %dma_start3A_14 = arith.constant 0 : i32
        %dma_start3A_15 = tpu.memref_slice %arg3[%sub3A_7, %dma_start3A_14] : memref<16x4096xf32, #tpu.memory_space<hbm>> -> memref<1x4096xf32, #tpu.memory_space<hbm>>
        %dma_start3A_16 = tpu.memref_squeeze %dma_start3A_15 : memref<1x4096xf32, #tpu.memory_space<hbm>> -> memref<4096xf32, #tpu.memory_space<hbm>>
        tpu.enqueue_dma source(%dma_start3A_16 : memref<4096xf32, #tpu.memory_space<hbm>>) target(%arg8 : memref<4096xf32, #tpu.memory_space<vmem>>) target_semaphore(%run_scoped3A : memref<!tpu.dma_semaphore, #tpu.memory_space<semaphore_mem>>)
        %dma_wait3A = arith.constant 0 : i32
        %dma_wait3A_17 = tpu.memref_slice %arg3[%sub3A_7, %dma_wait3A] : memref<16x4096xf32, #tpu.memory_space<hbm>> -> memref<1x4096xf32, #tpu.memory_space<hbm>>
        %dma_wait3A_18 = tpu.memref_squeeze %dma_wait3A_17 : memref<1x4096xf32, #tpu.memory_space<hbm>> -> memref<4096xf32, #tpu.memory_space<hbm>>
        %dma_wait3A_19 = arith.constant 0 : i32
        %dma_wait3A_20 = tpu.memref_slice %arg3[%sub3A_7, %dma_wait3A_19] : memref<16x4096xf32, #tpu.memory_space<hbm>> -> memref<1x4096xf32, #tpu.memory_space<hbm>>
        %dma_wait3A_21 = tpu.memref_squeeze %dma_wait3A_20 : memref<1x4096xf32, #tpu.memory_space<hbm>> -> memref<4096xf32, #tpu.memory_space<hbm>>
        tpu.wait_dma2 semaphore(%run_scoped3A : memref<!tpu.dma_semaphore, #tpu.memory_space<semaphore_mem>>) src(%dma_wait3A_21 : memref<4096xf32, #tpu.memory_space<hbm>>) dst(%arg8 : memref<4096xf32, #tpu.memory_space<vmem>>)
        tpu.yield
      }) : () -> ()
      "tpu.region"() ({
        %run_scoped3A = tpu.sem_alloc : memref<!tpu.dma_semaphore, #tpu.memory_space<semaphore_mem>>
        %dma_start3A = arith.constant 0 : i32
        %dma_start3A_12 = tpu.memref_slice %arg6[%sub3A_7, %dma_start3A] : memref<16x4096xf32, #tpu.memory_space<hbm>> -> memref<1x4096xf32, #tpu.memory_space<hbm>>
        %dma_start3A_13 = tpu.memref_squeeze %dma_start3A_12 : memref<1x4096xf32, #tpu.memory_space<hbm>> -> memref<4096xf32, #tpu.memory_space<hbm>>
        %dma_start3A_14 = arith.constant 0 : i32
        %dma_start3A_15 = tpu.memref_slice %arg6[%sub3A_7, %dma_start3A_14] : memref<16x4096xf32, #tpu.memory_space<hbm>> -> memref<1x4096xf32, #tpu.memory_space<hbm>>
        %dma_start3A_16 = tpu.memref_squeeze %dma_start3A_15 : memref<1x4096xf32, #tpu.memory_space<hbm>> -> memref<4096xf32, #tpu.memory_space<hbm>>
        tpu.enqueue_dma source(%arg8 : memref<4096xf32, #tpu.memory_space<vmem>>) target(%dma_start3A_16 : memref<4096xf32, #tpu.memory_space<hbm>>) target_semaphore(%run_scoped3A : memref<!tpu.dma_semaphore, #tpu.memory_space<semaphore_mem>>)
        %dma_wait3A = arith.constant 0 : i32
        %dma_wait3A_17 = tpu.memref_slice %arg6[%sub3A_7, %dma_wait3A] : memref<16x4096xf32, #tpu.memory_space<hbm>> -> memref<1x4096xf32, #tpu.memory_space<hbm>>
        %dma_wait3A_18 = tpu.memref_squeeze %dma_wait3A_17 : memref<1x4096xf32, #tpu.memory_space<hbm>> -> memref<4096xf32, #tpu.memory_space<hbm>>
        %dma_wait3A_19 = arith.constant 0 : i32
        %dma_wait3A_20 = tpu.memref_slice %arg6[%sub3A_7, %dma_wait3A_19] : memref<16x4096xf32, #tpu.memory_space<hbm>> -> memref<1x4096xf32, #tpu.memory_space<hbm>>
        %dma_wait3A_21 = tpu.memref_squeeze %dma_wait3A_20 : memref<1x4096xf32, #tpu.memory_space<hbm>> -> memref<4096xf32, #tpu.memory_space<hbm>>
        tpu.wait_dma2 semaphore(%run_scoped3A : memref<!tpu.dma_semaphore, #tpu.memory_space<semaphore_mem>>) src(%arg8 : memref<4096xf32, #tpu.memory_space<vmem>>) dst(%dma_wait3A_21 : memref<4096xf32, #tpu.memory_space<hbm>>)
        tpu.yield
      }) : () -> ()
      %eq3A = arith.constant 0 : i32
      %eq3A_8 = arith.cmpi eq, %sub3A_7, %eq3A : i32
      %convert_element_type3A_9 = arith.extui %eq3A_8 : i1 to i32
      %cond3A_10 = arith.constant 0 : i32
      %cond3A_11 = arith.cmpi ne, %convert_element_type3A_9, %cond3A_10 : i32
      scf.if %cond3A_11 {
        "tpu.region"() ({
          %run_scoped3A = tpu.sem_alloc : memref<!tpu.dma_semaphore, #tpu.memory_space<semaphore_mem>>
          tpu.enqueue_dma source(%arg4 : memref<16xf32, #tpu.memory_space<hbm>>) target(%arg10 : memref<16xf32, #tpu.memory_space<vmem>>) target_semaphore(%run_scoped3A : memref<!tpu.dma_semaphore, #tpu.memory_space<semaphore_mem>>)
          tpu.wait_dma2 semaphore(%run_scoped3A : memref<!tpu.dma_semaphore, #tpu.memory_space<semaphore_mem>>) src(%arg4 : memref<16xf32, #tpu.memory_space<hbm>>) dst(%arg10 : memref<16xf32, #tpu.memory_space<vmem>>)
          tpu.yield
        }) : () -> ()
        "tpu.region"() ({
          %run_scoped3A = tpu.sem_alloc : memref<!tpu.dma_semaphore, #tpu.memory_space<semaphore_mem>>
          tpu.enqueue_dma source(%arg10 : memref<16xf32, #tpu.memory_space<vmem>>) target(%arg7 : memref<16xf32, #tpu.memory_space<hbm>>) target_semaphore(%run_scoped3A : memref<!tpu.dma_semaphore, #tpu.memory_space<semaphore_mem>>)
          tpu.wait_dma2 semaphore(%run_scoped3A : memref<!tpu.dma_semaphore, #tpu.memory_space<semaphore_mem>>) src(%arg10 : memref<16xf32, #tpu.memory_space<vmem>>) dst(%arg7 : memref<16xf32, #tpu.memory_space<hbm>>)
          tpu.yield
        }) : () -> ()
      } else {
      }
    } else {
    }
    return
  }
}

</mosaic_0001>

<sc_bundles>
// kernel: kernel.3.cloned.1.call-start
scs
__scs_entry_jumppad:
0x0: {  	(pc) =	sbr.rel $0x88, $3  }
0x1: {  	(tag) =	ssettag $0x0;
	lr =	simm.s32 $0x1  }
0x2: {  	[smem:$0x3F9E] =	sst lr;
	_ =	strace $0xD0000000  }
0x3: {  	_ = 	snop  }
0x4: {  	_ = 	snop  }
0x5: {  	_ = 	snop  }
0x6: {  	_ = 	snop  }
0x7: {  	_ = 	snop  }
__scs_overlays_trampoline_lowered:
0x8: {  	[smem:$0x3FAD] =	sst s0  }
0x9: {  	[smem:$0x3FAE] =	sst s1  }
0xa: {  	[smem:$0x3FAF] =	sst s2  }
0xb: {  	[smem:$0x3FB0] =	sst s3  }
0xc: {  	[smem:$0x3FB1] =	sst s4  }
0xd: {  	[smem:$0x3FB2] =	sst s5  }
0xe: {  	[smem:$0x3FB3] =	sst s6  }
0xf: {  	[smem:$0x3FB4] =	sst s7  }
0x10: {  	[smem:$0x3FB5] =	sst s8  }
0x11: {  	[smem:$0x3FB6] =	sst s9;
	s0 =	simm.s32 @!p0 $0x0  }
0x12: {  	s1 =	sld [smem:$0x3F9C];
	s0 =	simm.s32 @p0 $0x1  }
0x13: {  	[smem:$0x3FB7] =	sst s0;
	s0 =	simm.s32 @!p1 $0x0  }
0x14: {  	s2 =	sld [smem:$0x3F9B];
	s0 =	simm.s32 @p1 $0x1  }
0x15: {  	[smem:$0x3FB8] =	sst s0;
	s0 =	simm.s32 @!p2 $0x0  }
0x16: {  	s3 =	sld [smem:$0x3FDB];
	s0 =	simm.s32 @p2 $0x1  }
0x17: {  	s4 =	simm.s32 $0x1BF5;
	[smem:$0x3FBA] =	sst s0  }
0x18: {  	s0 =	sld [smem:$0x3F9D];
	_ =	swait.ge [sflag:s4], $0x0  }
0x19: {  	s7 =	sld [smem:$0x3F9E]  }
0x1a: {  	s8 =	sadd.s32 $0xFFFFE003, lr  }
0x1b: {  	s9 =	sadd.s32 $0xFFFFFEF7, lr;
	s5 =	simm.s32 $0xFFFFFFFF;
	p2 =	slt.u32 s8, $0xFFFFF086  }
0x1c: {  	p1 =	slt.u32 s9, $0xF7A;
	s5 =	simm.s32 @!p2 $0x0  }
0x1d: {  	s5 =	simm.s32 @p1 $0x1;
	p0 =	seq.s32 s7, s2  }
0x1e: {  	s7 =	smul.u32 @!p0 $0xF7A, s2;
	p2 =	seq.s32 @!p0 s5, $0x0  }
0x1f: {  	s9 =	smul.u32 $0xF7A, s1;
	s8 =	simm.s32 @!p0 $0x1BF5;
	p2 =	por !p2, p0  }
0x20: {  	[sflag:s8] =	ssyncset.s32 @!p0 $0xFFFFF086;
	s6 =	sadd.s32 @!p0 s3, s7;
	s7 =	simm.s32 @!p0 $0x108  }
0x21: {  	s3 =	sadd.s32 s3, s9;
	s6 =	sadd.s32 @!p0 $0x88, s6;
	s7 =	simm.s32 @p2 $0x1082  }
0x22: {  	[simem:s7], [sflag:s8] =	dma.local @!p0 [hbm:s6], $0xF7A  }
0x23: {  	s9 =	sor.u32 $0xD0000000, s2;
	s6 =	simm.s32 $0x108;
	_ =	swait.ge @!p0 [sflag:s8], $0x0  }
0x24: {  	s3 =	sadd.s32 $0x88, s3;
	s6 =	simm.s32 @!p1 $0x1082;
	[sflag:s4] =	ssyncset.s32 $0xFFFFF086  }
0x25: {  	[simem:s6], [sflag:s4] =	dma.local [hbm:s3], $0xF7A  }
0x26: {  	[smem:$0x3F9E] =	sst s1;
	(tag) =	ssettag s2;
	_ =	strace s9  }
0x27: {  	s1 =	sld [smem:$0x3FAE]  }
0x28: {  	s2 =	sld [smem:$0x3FAF]  }
0x29: {  	s4 =	sld [smem:$0x3FB1]  }
0x2a: {  	p0 =	seq.s32 s5, $0x0;
	s5 =	sld [smem:$0x3FB2]  }
0x2b: {  	s6 =	sld [smem:$0x3FB3]  }
0x2c: {  	s7 =	sld [smem:$0x3FB4]  }
0x2d: {  	s3 =	simm.s32 $0x108;
	s8 =	sld [smem:$0x3FB5]  }
0x2e: {  	s3 =	simm.s32 @!p0 $0x1082;
	s9 =	sld [smem:$0x3FB6]  }
0x2f: {  	lr =	sadd.s32 s0, s3;
	s0 =	sld [smem:$0x3FAD]  }
0x30: {  	s3 =	sld [smem:$0x3FB0]  }
0x31: {  	[smem:$0x3FB9] =	sst s10  }
0x32: {  	s10 =	sld [smem:$0x3FB7];
	_ =	sdelay $0x3  }
0x33: {  	p0 =	seq.s32 s10, $0x1;
	s10 =	sld [smem:$0x3FB9];
	_ =	sdelay $0x3  }
0x34: {  	[smem:$0x3FB9] =	sst s10  }
0x35: {  	s10 =	sld [smem:$0x3FB8];
	_ =	sdelay $0x3  }
0x36: {  	p1 =	seq.s32 s10, $0x1;
	s10 =	sld [smem:$0x3FB9];
	_ =	sdelay $0x3  }
0x37: {  	[smem:$0x3FB9] =	sst s10  }
0x38: {  	s10 =	sld [smem:$0x3FBA]  }
0x39: {  	_ = 	snop;
	(pc) =	sbr.ind lr, $3  }
0x3a: {  	_ = 	snop  }
0x3b: {  	_ = 	snop  }
0x3c: {  	p2 =	seq.s32 s10, $0x1;
	s10 =	sld [smem:$0x3FB9]  }
0x3d: {  	_ =	shalt  }
0x3e: {  	_ =	shalt  }
0x3f: {  	_ =	shalt  }
0x40: {  	_ =	shalt  }
0x41: {  	_ =	shalt  }
0x42: {  	_ =	shalt  }
0x43: {  	_ =	shalt  }
0x44: {  	_ =	shalt  }
0x45: {  	_ =	shalt  }
0x46: {  	_ =	shalt  }
0x47: {  	_ =	shalt  }
0x48: {  	_ =	shalt  }
0x49: {  	_ =	shalt  }
0x4a: {  	_ =	shalt  }
0x4b: {  	_ =	shalt  }
0x4c: {  	_ =	shalt  }
0x4d: {  	_ =	shalt  }
0x4e: {  	_ =	shalt  }
0x4f: {  	_ =	shalt  }
0x50: {  	_ =	shalt  }
0x51: {  	_ =	shalt  }
0x52: {  	_ =	shalt  }
0x53: {  	_ =	shalt  }
0x54: {  	_ =	shalt  }
0x55: {  	_ =	shalt  }
0x56: {  	_ =	shalt  }
0x57: {  	_ =	shalt  }
0x58: {  	_ =	shalt  }
0x59: {  	_ =	shalt  }
0x5a: {  	_ =	shalt  }
0x5b: {  	_ =	shalt  }
0x5c: {  	_ =	shalt  }
0x5d: {  	_ =	shalt  }
0x5e: {  	_ =	shalt  }
0x5f: {  	_ =	shalt  }
0x60: {  	_ =	shalt  }
0x61: {  	_ =	shalt  }
0x62: {  	_ =	shalt  }
0x63: {  	_ =	shalt  }
0x64: {  	_ =	shalt  }
0x65: {  	_ =	shalt  }
0x66: {  	_ =	shalt  }
0x67: {  	_ =	shalt  }
0x68: {  	_ =	shalt  }
0x69: {  	_ =	shalt  }
0x6a: {  	_ =	shalt  }
0x6b: {  	_ =	shalt  }
0x6c: {  	_ =	shalt  }
0x6d: {  	_ =	shalt  }
0x6e: {  	_ =	shalt  }
0x6f: {  	_ =	shalt  }
0x70: {  	_ =	shalt  }
0x71: {  	_ =	shalt  }
0x72: {  	_ =	shalt  }
0x73: {  	_ =	shalt  }
0x74: {  	_ =	shalt  }
0x75: {  	_ =	shalt  }
0x76: {  	_ =	shalt  }
0x77: {  	_ =	shalt  }
0x78: {  	_ =	shalt  }
0x79: {  	_ =	shalt  }
0x7a: {  	_ =	shalt  }
0x7b: {  	_ =	shalt  }
0x7c: {  	_ =	shalt  }
0x7d: {  	_ =	shalt  }
0x7e: {  	_ =	shalt  }
0x7f: {  	_ =	shalt  }
0x80: {  	_ =	shalt  }
0x81: {  	_ =	shalt  }
0x82: {  	_ =	shalt  }
0x83: {  	_ =	shalt  }
0x84: {  	_ =	shalt  }
0x85: {  	_ =	shalt  }
0x86: {  	_ =	shalt  }
0x87: {  	_ =	shalt  }
.Lfunc_end0:
.L_simem_size_0:
called_computation_lowered:
.L_overlay_start_0:
0x88: {  	s2 =	sld [smem:$0x3FD9]  }
0x89: {  	s3 =	sld [smem:$0x3FFE];
	_ =	sdelay $0x1  }
0x8a: {  	s1 =	srdreg.scid  }
0x8b: {  	s0 =	sand.u32 $0x1, s1  }
0x8c: {  	s15 =	sshll.u32 s0, $0xA;
	s2 =	sadd.s32 s3, s2  }
0x8d: {  	s2 =	sadd.s32 s2, s15  }
0x8e: {  	[smem:$0x3FC5] =	sst s2  }
0x8f: {  	_ = 	snop  }
0x90: {  	s2 =	sld [smem:$0x3FD0]  }
0x91: {  	s16 =	sld [smem:$0x3FC9]  }
0x92: {  	s4 =	sld [smem:$0x3FC8]  }
0x93: {  	s6 =	simm.s32 $0xA;
	s7 =	simm.s32 $0x10;
	s5 =	sld [smem:$0x3FC7]  }
0x94: {  	[smem:s7], [sflag:s6] =	dma.local [hbm:s2], $0x1  }
0x95: {  	_ =	swait.eq [sflag:s6], $0x1  }
0x96: {  	s17 =	sld [smem:$0x10];
	[sflag:s6] =	ssyncset.done $0x0  }
0x97: {  	s18 =	sld [smem:$0x11];
	[sflag:s6] =	ssyncadd.s32 $0xFFFFFFFF  }
0x98: {  	s19 =	sld [smem:$0x12];
	(tm) =	ssettm $0x1  }
0x99: {  	s8 =	sld [smem:$0x3FFB];
	_ =	sdelay $0x3  }
0x9a: {  	_ =	strace s8  }
0x9b: {  	s8 =	sld [smem:$0x3FFC];
	_ =	sdelay $0x3  }
0x9c: {  	_ =	strace s8  }
0x9d: {  	s8 =	sld [smem:$0x3FFD];
	_ =	sdelay $0x3  }
0x9e: {  	_ =	strace s8  }
0x9f: {  	_ =	strace $0x8FFFFFFF  }
0xa0: {  	s20 =	sld [smem:$0x3FDB];
	_ =	sdelay $0x1  }
0xa1: {  	s9 =	simm.s32 $_scs_section_size  }
0xa2: {  	s10 =	simm.s32 $_size__tile_overlayer_lowered;
	s11 =	simm.s32 $_tile_overlayer_lowered  }
0xa3: {  	s23 =	simm.s32 $0x1BFF;
	s22 =	sshll.u32 s11, $0x1;
	s8 =	sadd.s32 s9, s20  }
0xa4: {  	s12 =	simm.s32 $0x0;
	s21 =	sshll.u32 s10, $0x1;
	s10 =	sadd.s32 s22, s8  }
0xa5: {  	[timem:s12], [sflag:s23] =	dma.local [hbm:s10], s21  }
0xa6: {  	_ =	swait.ge [sflag:s23], s21  }
0xa7: {  	s9 =	ssub.s32 $0x0, s21;
	[sflag:s23] =	ssyncset.done $0x0  }
0xa8: {  	[sflag:s23] =	ssyncadd.s32 s9;
	_ =	sdelay $0x1  }
0xa9: {  	s24 =	simm.s32 $0x1B8B  }
0xaa: {  	_ =	swait.ge [sflag:s24], $0x1  }
0xab: {  	[sflag:s24] =	ssyncset.done $0x0  }
0xac: {  	s25 =	simm.s32 $0x1B8E;
	[sflag:s24] =	ssyncadd.s32 $0xFFFFFFFF  }
0xad: {  	s26 =	simm.s32 $execute0_lowered;
	[smem:$0x3FD2] =	sst s25  }
0xae: {  	s9 =	sshll.u32 s26, $0x1;
	_ =	strace $0x80000046;
	[dreg:$0x1] =	wrdreg $0xFFFFFFFF  }
0xaf: {  	s28 =	simm.s32 $_size_execute0_lowered;
	s8 =	sadd.s32 s8, s9;
	[dreg:$0x0] =	wrdreg $0x0  }
0xb0: {  	s9 =	sshll.u32 s28, $0x1;
	[dreg:$0x2] =	wrdreg s8  }
0xb1: {  	[dreg:$0x3] =	wrdreg s9  }
0xb2: {  	[dreg:$0x4] =	wrdreg $0xC0  }
0xb3: {  	_ =	task [dreg:s12], $0x5FFFF  }
0xb4: {  	[dreg:$0x1] =	wrdreg $0xFFFFFFFF  }
0xb5: {  	[dreg:$0x0] =	wrdreg $0x60  }
0xb6: {  	[dreg:$0x2] =	wrdreg s16  }
0xb7: {  	[dreg:$0x3] =	wrdreg s4  }
0xb8: {  	[dreg:$0x4] =	wrdreg s5  }
0xb9: {  	[dreg:$0x5] =	wrdreg s17  }
0xba: {  	[dreg:$0x6] =	wrdreg s18  }
0xbb: {  	[dreg:$0x7] =	wrdreg s19  }
0xbc: {  	[dreg:$0x8] =	wrdreg $0x9  }
0xbd: {  	_ =	task.clear_ibuf [dreg:s12], $0x9FFFF;
	_ =	strace $0x90000046  }
0xbe: {  	s29 =	simm.s32 $0x9;
	_ =	strace $0x80000048  }
0xbf: {  	_ =	swait.ge [sflag:s29], $0x1  }
0xc0: {  	[sflag:s29] =	ssyncadd.s32 $0xFFFFFFFF  }
0xc1: {  	_ =	strace $0x90000048  }
0xc2: {  	_ =	sfence  }
0xc3: {  	s30 =	sld [smem:$0x0];
	_ =	sdelay $0x2  }
0xc4: {  	s31 =	sshll.u32 s1, $0xD;
	s1 =	sshrl.u32 s1, $0x2  }
0xc5: {  	s3 =	sand.u32 $0x4000, s31;
	s1 =	sadd.s32 s1, s30  }
0xc6: {  	s0 =	sor.u32 s3, s0;
	s1 =	sshll.u32 s1, $0x11  }
0xc7: {  	s0 =	sor.u32 s1, s0  }
0xc8: {  	s0 =	sadd.s32 $0x8F2B, s0  }
0xc9: {  	[sflag:s0] =	ssyncadd.remote.s32 $0x1  }
0xca: {  	_ =	sfence.sel $0xFFFF  }
0xcb: {  	[dreg:$0x0] =	wrdreg $0xFFFFFFFF;
	(pc) =	sbr.abs _section_cstart, $3  }
0xcc: {  	[dreg:$0x1] =	wrdreg $0xFFFFFFFF  }
0xcd: {  	_ =	task.clear_ibuf [dreg:s12], $0x2FFFF;
	_ =	strace $0x9FFFFFFF  }
0xce: {  	(tm) =	ssettm $0x7FFFFFFF  }
0xcf: {  	_ =	shalt  }
tec
execute0_lowered:
.L_overlay_start_1:
0x0: {  	(tag) =	ssettag $0x1  }
0x1: {  	s7 =	rddreg [dreg:$0x0]  }
0x2: {  	s5 =	rddreg [dreg:$0x1]  }
0x3: {  	s1 =	rddreg [dreg:$0x2]  }
0x4: {  	s8 =	rddreg [dreg:$0x3]  }
0x5: {  	s6 =	rddreg [dreg:$0x4]  }
0x6: {  	s3 =	rddreg [dreg:$0x5]  }
0x7: {  	s0 =	rddreg [dreg:$0x6];
	s9 =	srdreg.scid  }
0x8: {  	s2 =	stileid.u32;
	s4 =	simm.s32 $0x0;
	s9 =	sand.u32 $0x1, s9  }
0x9: {  	s10 =	sshll.u32 s2, $0x1;
	[smem:$0x7FF] =	sst s4;
	s31 =	sshll.u32 s2, $0xA  }
0xa: {  	p0 =	sgt.u32 s2, $0x7;
	s10 =	sor.u32 s9, s10;
	_ =	strace $0x80000047  }
0xb: {  	s9 =	ssub.s32 $0x2, s9;
	s14 =	sadd.s32 $0xFFFFFFF0, s10;
	s12 =	sshll.u32 s10, $0x7  }
0xc: {  	s10 =	sshll.u32 s10, $0x4;
	s13 =	sshrl.u32 s9, $0x1;
	s11 =	sshll.u32 s14, $0xC  }
0xd: {  	s10 =	sor.u32 s31, s10;
	s9 =	ssub.s32 s9, s13;
	s13 =	simm.s32 $0x1000  }
.Ltmp0:
0xe: {  	p1 =	sne.s32 s14, $0x0;
	s14 =	simm.s32 $0x0;
	(pc) =	sbr.rel .LBB2_1-.Ltmp0, $4  }
0xf: {  	s11 =	sor.u32 s12, s11;
	s10 =	sand.u32 $0x1070, s10;
	s9 =	smax.u32 s9, $0x1  }
0x10: {  	s12 =	simm.s32 $0x1;
	s11 =	sand.u32 $0x7FFF8380, s11;
	s7 =	sadd.s32 s7, s10  }
0x11: {  	v0 =	vlaneseq.u32;
	s8 =	sadd.s32 s8, s10;
	s10 =	simm.s32 $0x80;
	s11 =	sshrl.u32 s11, $0x3  }
0x12: {  	v1 =	vimm.s32 $0x0;
	v0 =	vor.u32 $0xFF0, v0;
	s5 =	sadd.s32 s5, s11;
	s6 =	sadd.s32 s6, s11;
	s11 =	simm.s32 $0x400  }
.LBB2_5:
0x13: {  	[tilespmem:s4], [sflag:$0x1] =	stream.strided.gather [hbm4b:s5+s10], $0x1000, s11, s10, $0x38;
	[tilespmem:$0x2080] =	vst v63  }
0x14: {  	_ =	swait.ge [sflag:s12], $0x1000  }
0x15: {  	[sflag:s12] =	ssyncset.done $0x0  }
0x16: {  	[sflag:s12] =	ssyncadd.s32 $0xFFFFF000  }
0x17: {  	[hbm4b:s6+s10] =	stream.strided.scatter [tilespmem:s4], [sflag:$0x1], $0x1000, s11, s10, $0x38;
	[tilespmem:$0x2080] =	vst v63  }
0x18: {  	_ =	swait.ge [sflag:s12], $0x1000  }
0x19: {  	s15 =	simm.s32 @!p1 $0x0;
	[sflag:s12] =	ssyncset.done $0x0  }
0x1a: {  	s16 =	simm.s32 @!p1 $0x2000;
	s17 =	simm.s32 @!p1 $0x1;
	[sflag:s12] =	ssyncadd.s32 $0xFFFFF000  }
0x1b: {  	[tilespmem:s16], [sflag:$0x1] =	stream.linear.gather @!p1 [hbm4b:s1+s15], $0x80, $0x38;
	[tilespmem:$0x2080] =	vst v63  }
0x1c: {  	_ =	swait.ge @!p1 [sflag:s17], $0x80  }
0x1d: {  	[sflag:s17] =	ssyncset.done @!p1 $0x0  }
0x1e: {  	[sflag:s17] =	ssyncadd.s32 @!p1 $0xFFFFFF80  }
0x1f: {  	[hbm4b:s3+s15] =	stream.linear.scatter @!p1 [tilespmem:s16], [sflag:$0x1], $0x80, $0x38;
	[tilespmem:$0x2080] =	vst v63  }
0x20: {  	_ =	swait.ge @!p1 [sflag:s17], $0x80  }
0x21: {  	[sflag:s17] =	ssyncset.done @!p1 $0x0  }
0x22: {  	[sflag:s17] =	ssyncadd.s32 @!p1 $0xFFFFFF80  }
.LBB2_6:
0x23: {  	s14 =	sadd.s32 $0x1, s14  }
0x24: {  	p2 =	sne.s32 s14, s9  }
.Ltmp1:
0x25: {  	_ = 	snop;
	(pc) =	sbr.rel @!p2 .LBB2_7-.Ltmp1, $1  }
0x26: {  	_ =	sdelay $0x3  }
.LBB2_1:
.Ltmp2:
0x27: {  	(pc) =	sbr.rel @p0 .LBB2_5-.Ltmp2, $1  }
0x28: {  	_ =	sdelay $0x3  }
0x29: {  	[tilespmem:s4], [sflag:$0x1] =	stream.strided.gather [hbm4b:s7+s10], $0x1000, s11, s10, $0x38;
	[tilespmem:$0x2080] =	vst v63  }
0x2a: {  	_ =	swait.ge [sflag:s12], $0x1000  }
0x2b: {  	[sflag:s12] =	ssyncset.done $0x0  }
0x2c: {  	s15 =	simm.s32 $0xFF0;
	[sflag:s12] =	ssyncadd.s32 $0xFFFFF000  }
0x2d: {  	v13 =	vld [tilespmem:s15+$0x0]  }
0x2e: {  	v16 =	vld [tilespmem:s15+$0xFFFFFFF0]  }
0x2f: {  	v2 =	vld [tilespmem:s15+$0xFFFFFFE0]  }
0x30: {  	v3 =	vld [tilespmem:s15+$0xFFFFFFD0];
	_ =	sdelay $0x2  }
0x31: {  	v8 =	vimm.s32 $0x0;
	vm0 =	vlt.f32 v13, $0.0e+00  }
0x32: {  	vm1 =	vgt.f32 v13, $0.0e+00;
	vm2 =	vgt.f32 v16, $0.0e+00;
	vm3 =	vgt.f32 v2, $0.0e+00  }
0x33: {  	vm4 =	vgt.f32 v3, $0.0e+00;
	vm0 =	vmor vm1, vm0;
	vm1 =	vlt.f32 v16, $0.0e+00  }
0x34: {  	v6 =	vmpcnt.ones.xlane vm0;
	vm1 =	vmor vm2, vm1;
	vm2 =	vlt.f32 v2, $0.0e+00  }
0x35: {  	v5 =	vsel vm0, $0x1, v1;
	v9 =	vmpcnt.ones.xlane vm1;
	vm2 =	vmor vm3, vm2  }
0x36: {  	s31 =	simm.s32 $0xFB0;
	vm3 =	vlt.f32 v3, $0.0e+00;
	v12 =	vsel vm1, $0x1, v1;
	v4 =	vadd.s32 v6, v0  }
0x37: {  	v7 =	vld [tilespmem:s31+$0x0];
	v11 =	vmpcnt.ones.xlane vm2;
	vm3 =	vmor vm4, vm3;
	v10 =	vadd.s32 $0xFFFFFFF0, v4  }
0x38: {  	(xrf0) =	vadd.scan.msk.s32 $0xffff, v5;
	v5 =	vadd.s32 v8, v6;
	v18 =	vsel vm2, $0x1, v1;
	v4 =	vadd.s32 v9, v10  }
0x39: {  	v8 =	vsel vm0, v8, v0;
	v15 =	vmpcnt.ones.xlane vm3;
	v14 =	vadd.s32 $0xFFFFFFF0, v4  }
0x3a: {  	(xrf0) =	vadd.scan.msk.s32 $0xffff, v12;
	v17 =	vadd.s32 v5, v9;
	v8 =	vadd.s32 v6, v8;
	v6 =	vld [tilespmem:s31+$0xFFFFFFD0];
	v4 =	vadd.s32 v11, v14  }
0x3b: {  	v12 =	vadd.s32 v17, v11;
	v10 =	vsel vm1, v5, v10;
	v4 =	vadd.s32 $0xFFFFFFF0, v4  }
0x3c: {  	vm0 =	vlt.f32 v7, $0.0e+00;
	v20 =	vadd.s32 v15, v4;
	v21 =	vsel vm3, v12, v4;
	v4 =	vld [tilespmem:s31+$0xFFFFFFF0]  }
0x3d: {  	v19 =	vsel vm3, $0x1, v1;
	v5 =	vld [tilespmem:s31+$0xFFFFFFE0];
	vm1 =	vgt.f32 v7, $0.0e+00;
	v14 =	vsel vm2, v17, v14  }
0x3e: {  	v9 =	vadd.s32 v9, v10;
	vm0 =	vmor vm1, vm0;
	v17 =	vadd.s32 v11, v14;
	v10, _, _ =	vpop (xrf0)  }
0x3f: {  	v12 =	vadd.s32 v12, v15;
	v25 =	vsub.s32 v8, v10;
	vm15 =	vgt.f32 v6, $0.0e+00  }
0x40: {  	v8, _, _ =	vpop (xrf0);
	v20 =	vadd.s32 $0xFFFFFFF0, v20;
	v21 =	vadd.s32 v15, v21;
	v15 =	vmpcnt.ones.xlane vm0  }
0x41: {  	v26 =	vsub.s32 v9, v8;
	vm1 =	vlt.f32 v4, $0.0e+00;
	vm2 =	vgt.f32 v4, $0.0e+00  }
0x42: {  	vm3 =	vgt.f32 v5, $0.0e+00;
	v9 =	vsel vm0, $0x1, v1;
	vm1 =	vmor vm2, vm1  }
0x43: {  	v8 =	vadd.s32 v15, v20;
	vm2 =	vlt.f32 v5, $0.0e+00;
	v10 =	vmpcnt.ones.xlane vm1  }
0x44: {  	v20 =	vsel vm0, v12, v20;
	v8 =	vadd.s32 $0xFFFFFFF0, v8;
	vm2 =	vmor vm3, vm2  }
0x45: {  	(xrf0) =	vadd.scan.msk.s32 $0xffff, v18;
	vm3 =	vlt.f32 v6, $0.0e+00;
	v18 =	vmpcnt.ones.xlane vm2;
	v11 =	vadd.s32 v10, v8  }
0x46: {  	(xrf0) =	vadd.scan.msk.s32 $0xffff, v19;
	vm3 =	vmor vm15, vm3;
	v19 =	vadd.s32 $0xFFFFFFF0, v11;
	v11 =	vadd.s32 v12, v15  }
0x47: {  	s15 =	simm.s32 $0xF70;
	v14 =	vsel vm1, $0x1, v1;
	v23 =	vmpcnt.ones.xlane vm3;
	v24 =	vadd.s32 v11, v10  }
0x48: {  	(xrf0) =	vadd.scan.msk.s32 $0xffff, v9;
	v9 =	vadd.s32 v18, v19;
	v63 =	vsel vm1, v11, v8;
	v11 =	vld [tilespmem:s15+$0xFFFFFFF0];
	v27 =	vadd.s32 v24, v18  }
0x49: {  	[tilespmem:v26+s13+$0x0] =	vst.idx.msk $0xffff, v16;
	(xrf0) =	vadd.scan.msk.s32 $0xffff, v14;
	v14 =	vsel vm2, $0x1, v1;
	v22 =	vadd.s32 $0xFFFFFFF0, v9;
	v9 =	vld [tilespmem:s15+$0x0]  }
0x4a: {  	v28 =	vsel vm3, $0x1, v1;
	(xrf0) =	vadd.scan.msk.s32 $0xffff, v14;
	v19 =	vsel vm2, v24, v19;
	v29 =	vadd.s32 v23, v22  }
0x4b: {  	v30 =	vsel vm3, v27, v22;
	v14 =	vadd.s32 v27, v23;
	v22 =	vadd.s32 $0xFFFFFFF0, v29;
	v27, _, _ =	vpop (xrf0);
	(xrf0) =	vadd.scan.msk.s32 $0xffff, v28  }
0x4c: {  	v8 =	vld [tilespmem:s15+$0xFFFFFFE0];
	v12 =	vadd.s32 v23, v30;
	v16 =	vmovc v14;
	v28 =	vadd.s32 v10, v63;
	v10 =	vadd.s32 v18, v19  }
0x4d: {  	v19 =	vadd.s32 v15, v20;
	v24, _, _ =	vpop (xrf0);
	v15 =	vsub.s32 v17, v27;
	vm2 =	vgt.f32 v11, $0.0e+00  }
0x4e: {  	v20 =	vld [tilespmem:s15+$0xFFFFFFD0];
	v18, _, _ =	vpop (xrf0);
	v24 =	vsub.s32 v21, v24;
	vm0 =	vlt.f32 v9, $0.0e+00;
	vm1 =	vgt.f32 v9, $0.0e+00  }
0x4f: {  	v17, _, _ =	vpop (xrf0);
	v23 =	vsub.s32 v19, v18;
	vm0 =	vmor vm1, vm0;
	vm1 =	vlt.f32 v11, $0.0e+00  }
0x50: {  	[tilespmem:v25+s13+$0x0] =	vst.idx.msk $0xffff, v13;
	v19 =	vmov v22;
	v21 =	vsub.s32 v28, v17;
	v13, _, _ =	vpop (xrf0);
	v17 =	vmpcnt.ones.xlane vm0  }
0x51: {  	s16 =	simm.s32 $0x8;
	v25 =	vsel vm0, $0x1, v1;
	vm1 =	vmor vm2, vm1;
	vm2 =	vlt.f32 v8, $0.0e+00;
	v18, _, _ =	vpop (xrf0)  }
.LBB2_3:
0x52: {  	s16 =	sadd.s32 $0x4, s16;
	v22 =	vadd.s32 v17, v22;
	v26 =	vmpcnt.ones.xlane vm1;
	vm3 =	vgt.f32 v8, $0.0e+00;
	(xrf0) =	vadd.scan.msk.s32 $0xffff, v25  }
0x53: {  	p2 =	slt.u32 s16, $0xFC;
	v25 =	vadd.s32 $0xFFFFFFF0, v22;
	vm2 =	vmor vm3, vm2;
	vm3 =	vlt.f32 v20, $0.0e+00;
	[tilespmem:v24+s13+$0x0] =	vst.idx.msk $0xffff, v3;
	v3 =	vmovc v6;
	v6 =	vmovc v20  }
0x54: {  	v20 =	vadd.s32 v26, v25;
	v24 =	vmpcnt.ones.xlane vm2;
	vm4 =	vgt.f32 v6, $0.0e+00;
	[tilespmem:v23+s13+$0x0] =	vst.idx.msk $0xffff, v7;
	v7 =	vmovc v9  }
0x55: {  	v9 =	vsel vm1, $0x1, v1;
	v20 =	vadd.s32 $0xFFFFFFF0, v20;
	vm3 =	vmor vm4, vm3;
	[tilespmem:v21+s13+$0x0] =	vst.idx.msk $0xffff, v4;
	v4 =	vmovc v11  }
0x56: {  	v21 =	vadd.s32 v14, v17;
	v11 =	vadd.s32 v24, v20;
	v23 =	vmpcnt.ones.xlane vm3;
	(xrf0) =	vadd.scan.msk.s32 $0xffff, v9  }
0x57: {  	s15 =	sadd.s32 $0xFFFFFFC0, s15;
	v14 =	vsel vm2, $0x1, v1;
	v27 =	vadd.s32 v21, v26;
	v11 =	vadd.s32 $0xFFFFFFF0, v11;
	[tilespmem:v15+s13+$0x0] =	vst.idx.msk $0xffff, v2;
	v2 =	vmovc v5  }
0x58: {  	v30 =	vadd.s32 v27, v24;
	v15 =	vsel vm3, $0x1, v1;
	v9 =	vld [tilespmem:s15+$0x0];
	v22 =	vadd.s32 v23, v11;
	v28, _, _ =	vpop (xrf0);
	(xrf0) =	vadd.scan.msk.s32 $0xffff, v14  }
0x59: {  	v5 =	vmovc v8;
	v29 =	vsel vm3, v30, v11;
	v14 =	vadd.s32 v30, v23;
	v22 =	vadd.s32 $0xFFFFFFF0, v22;
	(xrf0) =	vadd.scan.msk.s32 $0xffff, v15  }
0x5a: {  	v20 =	vsel vm2, v27, v20;
	v30 =	vsel vm1, v21, v25;
	v15 =	vsel vm0, v16, v19;
	v16 =	vmovc v14;
	v11 =	vld [tilespmem:s15+$0xFFFFFFF0]  }
0x5b: {  	v25 =	vadd.s32 v24, v20;
	v21 =	vadd.s32 v26, v30;
	v26 =	vadd.s32 v23, v29;
	v19 =	vmovc v22;
	v8 =	vld [tilespmem:s15+$0xFFFFFFE0]  }
.Ltmp3:
0x5c: {  	v24 =	vsub.s32 v12, v18;
	v17 =	vadd.s32 v17, v15;
	v15 =	vsub.s32 v10, v13;
	v27, _, _ =	vpop (xrf0);
	(pc) =	sbr.rel @p2 .LBB2_3-.Ltmp3, $4  }
0x5d: {  	v10 =	vmovc v25;
	v12 =	vmovc v26;
	v23 =	vsub.s32 v17, v28;
	vm0 =	vlt.f32 v9, $0.0e+00;
	vm1 =	vgt.f32 v9, $0.0e+00;
	v20 =	vld [tilespmem:s15+$0xFFFFFFD0]  }
0x5e: {  	v21 =	vsub.s32 v21, v27;
	vm0 =	vmor vm1, vm0;
	v13, _, _ =	vpop (xrf0)  }
0x5f: {  	v17 =	vmpcnt.ones.xlane vm0;
	vm1 =	vlt.f32 v11, $0.0e+00;
	vm2 =	vgt.f32 v11, $0.0e+00;
	v18, _, _ =	vpop (xrf0)  }
0x60: {  	v25 =	vsel vm0, $0x1, v1;
	vm1 =	vmor vm2, vm1;
	vm2 =	vlt.f32 v8, $0.0e+00  }
0x61: {  	_ =	sdelay $0x1  }
0x62: {  	vm3 =	vgt.f32 v8, $0.0e+00  }
0x63: {  	v22 =	vadd.s32 v17, v22;
	v26 =	vmpcnt.ones.xlane vm1;
	(xrf0) =	vadd.scan.msk.s32 $0xffff, v25;
	v51 =	vsel vm1, $0x1, v1  }
0x64: {  	[tilespmem:v24+s13+$0x0] =	vst.idx.msk $0xffff, v3;
	vm2 =	vmor vm3, vm2;
	vm15 =	vlt.f32 v20, $0.0e+00;
	vm4 =	vgt.f32 v20, $0.0e+00  }
0x65: {  	v3 =	vadd.s32 v14, v17;
	(xrf0) =	vadd.scan.msk.s32 $0xffff, v51;
	vm3 =	vmor vm4, vm15;
	v52 =	vsel vm2, $0x1, v1  }
0x66: {  	v16 =	vsel vm0, v16, v19;
	v12 =	vsub.s32 v12, v18;
	(xrf0) =	vadd.scan.msk.s32 $0xffff, v52;
	v53 =	vsel vm3, $0x1, v1  }
0x67: {  	v10 =	vsub.s32 v10, v13;
	v22 =	vadd.s32 $0xFFFFFFF0, v22;
	v16 =	vadd.s32 v17, v16;
	(xrf0) =	vadd.scan.msk.s32 $0xffff, v53  }
0x68: {  	v27 =	vadd.s32 v26, v22;
	v28 =	vmpcnt.ones.xlane vm2;
	v57 =	vadd.s32 v3, v26  }
0x69: {  	[tilespmem:v23+s13+$0x0] =	vst.idx.msk $0xffff, v7;
	v3 =	vsel vm1, v3, v22;
	v54 =	vadd.s32 $0xFFFFFFF0, v27;
	v56 =	vmpcnt.ones.xlane vm3  }
0x6a: {  	v3 =	vadd.s32 v26, v3;
	v55 =	vadd.s32 v28, v54;
	v59 =	vadd.s32 v57, v28;
	v58, _, _ =	vpop (xrf0)  }
0x6b: {  	[tilespmem:v15+s13+$0x0] =	vst.idx.msk $0xffff, v2;
	v7 =	vsel vm2, v57, v54;
	v14 =	vadd.s32 $0xFFFFFFF0, v55;
	v60, _, _ =	vpop (xrf0);
	v16 =	vsub.s32 v16, v58  }
0x6c: {  	v2 =	vadd.s32 v28, v7;
	v61 =	vsel vm3, v59, v14;
	v3 =	vsub.s32 v3, v60;
	v62, _, _ =	vpop (xrf0)  }
0x6d: {  	[tilespmem:v21+s13+$0x0] =	vst.idx.msk $0xffff, v4;
	v4 =	vadd.s32 v56, v61;
	v63, _, _ =	vpop (xrf0);
	v2 =	vsub.s32 v2, v62  }
0x6e: {  	[tilespmem:v12+s13+$0x0] =	vst.idx.msk $0xffff, v6;
	v4 =	vsub.s32 v4, v63  }
0x6f: {  	[tilespmem:v10+s13+$0x0] =	vst.idx.msk $0xffff, v5  }
0x70: {  	[tilespmem:v16+s13+$0x0] =	vst.idx.msk $0xffff, v9  }
0x71: {  	[tilespmem:v3+s13+$0x0] =	vst.idx.msk $0xffff, v11  }
0x72: {  	[tilespmem:v2+s13+$0x0] =	vst.idx.msk $0xffff, v8  }
.Ltmp4:
0x73: {  	[tilespmem:v4+s13+$0x0] =	vst.idx.msk $0xffff, v20;
	(pc) =	sbr.rel .LBB2_6-.Ltmp4, $4  }
0x74: {  	[hbm4b:s8+s10] =	stream.strided.scatter [tilespmem:s13], [sflag:$0x1], $0x1000, s11, s10, $0x38;
	[tilespmem:$0x2080] =	vst v63  }
0x75: {  	_ =	swait.ge [sflag:s12], $0x1000  }
0x76: {  	[sflag:s12] =	ssyncset.done $0x0  }
0x77: {  	[sflag:s12] =	ssyncadd.s32 $0xFFFFF000  }
.LBB2_7:
0x78: {  	_ =	sfence.sel $0x180000  }
0x79: {  	[bflag:$0x0] =	sbarrier.arrive $0xFFFF  }
0x7a: {  	p0 =	sne.s32 s2, $0x0;
	_ =	strace $0x90000047  }
0x7b: {  	s0 =	sadd.s32 @!p0 $0x100000, s0;
	[bflag:$0x2] =	sbarrier.arrive $0xFFFF  }
0x7c: {  	[sflag:s0] =	ssyncadd.tile.s32 @!p0 $0x1;
	_ =	shalt  }
.Lfunc_end2:
_tile_overlayer_lowered:
.L_overlay_start_2:
0x7d: {  	(tag) =	ssettag $0x2  }
0x7e: {  	s0 =	rddreg [dreg:$0x0];
	s2 =	stileid.u32  }
0x7f: {  	s1 =	rddreg [dreg:$0x1];
	p0 =	sne.s32 s2, $0x0  }
0x80: {  	s3 =	rddreg [dreg:$0x2];
	[bflag:$0x3] =	sbarrier.arrive $0xFFFF;
	s2 =	simm.s32 @!p0 $0x1C01  }
0x81: {  	[timem:s3], [sflag:s2] =	dma.local @!p0 [hbm:s0], s1  }
0x82: {  	s0 =	simm.s32 @!p0 $0x1  }
0x83: {  	_ =	swait.ge @!p0 [sflag:s0], s1  }
0x84: {  	s1 =	ssub.s32 @!p0 $0x0, s1;
	[sflag:s0] =	ssyncset.done @!p0 $0x0  }
0x85: {  	[sflag:s0] =	ssyncadd.s32 @!p0 s1  }
0x86: {  	[bflag:$0x3] =	sbarrier.arrive $0xFFFF  }
0x87: {  	_ =	shalt  }

</sc_bundles>
